<compile_context>
chip_gen: v7x
topology: tpu7x:2x2x1
jax: 0.10.2.dev20260603
libtpu: 0.0.44.dev20260713+nightly
codegen_flags: <defaults>
</compile_context>

<pallas_src>
import jax
import jax.numpy as jnp
from jax import lax
from jax.experimental import pallas as pl
from jax.experimental.pallas import tpu as pltpu
from jax.experimental.pallas import tpu_sc as plsc

N = 32768
NC = 1
NS = 16
L = 16
NW = NC * NS
CHUNK = N // NW


def _sc_branch_body(x_hbm, wb_hbm, out_hbm, xv, ov, wbv, sem):
    wid = lax.axis_index("s") * NC + lax.axis_index("c")
    base = wid * CHUNK
    cp_x = pltpu.make_async_copy(x_hbm.at[pl.ds(base, CHUNK)], xv, sem)
    cp_wb = pltpu.make_async_copy(wb_hbm, wbv, sem)
    cp_x.start()
    cp_wb.start()
    cp_x.wait()
    cp_wb.wait()
    w = wbv[pl.ds(0, L)]
    b = wbv[pl.ds(L, L)]

    UNROLL = 16

    def blk(j, carry):
        off = j * (UNROLL * L)
        for k in range(UNROLL):
            v = xv[pl.ds(off + k * L, L)]
            ov[pl.ds(off + k * L, L)] = jnp.maximum(v - 1.0, 0.0) * w + b
        return carry

    lax.fori_loop(0, CHUNK // (UNROLL * L), blk, 0)
    pltpu.sync_copy(ov, out_hbm.at[pl.ds(base, CHUNK)])


@jax.jit
def _branch_module(x, wb):
    mesh = plsc.VectorSubcoreMesh(
        core_axis_name="c", subcore_axis_name="s", num_cores=NC
    )
    return pl.kernel(
        _sc_branch_body,
        mesh=mesh,
        out_type=jax.ShapeDtypeStruct((N,), jnp.float32),
        scratch_types=[
            pltpu.VMEM((CHUNK,), jnp.float32),
            pltpu.VMEM((CHUNK,), jnp.float32),
            pltpu.VMEM((2 * L,), jnp.float32),
            pltpu.SemaphoreType.DMA,
        ],
    )(x, wb)


def kernel(x, W1, b1, W2, b2):
    wb = jnp.concatenate(
        [jnp.broadcast_to(W1.reshape(1), (L,)), jnp.broadcast_to(b1, (L,))]
    )
    out = _branch_module(x.reshape(N), wb)
    return out.reshape(N, 1)

# --- scband reference (transcript-rebuilt; emitter-appended) ---
"""Pipeline reference for scband-branch-module-10436770530007 (READ-ONLY COPY).

The authoritative reference and input builder live on the scoring server;
editing this copy changes nothing except your own understanding.
"""

import jax, jax.numpy as jnp
import numpy as np

# BranchModule: x = x - 1; scatter_router splits tokens into two branches
# (Router() takes no ctor args; interpreted as a 2-way condition scatter on
# the token value sign, keeping static shapes via masking). Branch x goes
# through linear1, branch y through linear2; only the x branch is returned.

def setup_inputs(seed: int = 0) -> dict:
    key = jax.random.key(seed)
    k1, k2, k3, k4, k5 = jax.random.split(key, 5)
    x = jax.random.normal(k1, (32768, 1), dtype=jnp.float32)
    # nn.Linear(1, 1) params for linear1 and linear2
    W1 = jax.random.normal(k2, (1, 1), dtype=jnp.float32) * (1.0 / np.sqrt(1.0))
    b1 = jax.random.normal(k3, (1,), dtype=jnp.float32) * 0.01
    W2 = jax.random.normal(k4, (1, 1), dtype=jnp.float32) * (1.0 / np.sqrt(1.0))
    b2 = jax.random.normal(k5, (1,), dtype=jnp.float32) * 0.01
    return {"x": x, "W1": W1, "b1": b1, "W2": W2, "b2": b2}


def scatter_router(x):
    # 2-way scatter: tokens with value >= 0 go to branch 0, else branch 1.
    # Static-shape formulation: masked copies (scattered positions zeroed).
    mask = x >= 0
    x_branch = jnp.where(mask, x, 0.0)
    y_branch = jnp.where(mask, 0.0, x)
    return x_branch, y_branch


def reference(x, W1, b1, W2, b2):
    x = x - 1.0
    xb, yb = scatter_router(x)
    x_out = xb @ W1.T + b1
    y_out = yb @ W2.T + b2  # computed (matches torch), but not returned
    return x_out


if False:  # reference __main__ guard neutralized (emitter)
    inp = setup_inputs()
    out = reference(**inp)
    print(out.shape, out.dtype)

if __name__ == "__main__":
    import jax
    _d = setup_inputs()
    print(jax.jit(kernel)(*tuple(_d.values())))

</pallas_src>

<mosaic_0001>
#map = affine_map<(d0, d1) -> (0)>
module attributes {stable_mosaic.version = 14 : i64} {
  func.func @_sc_branch_body(%arg0: i32, %arg1: i32, %arg2: memref<32768xf32, #tpu.memory_space<hbm>>, %arg3: memref<32xf32, #tpu.memory_space<hbm>>, %arg4: memref<32768xf32, #tpu.memory_space<hbm>>, %arg5: memref<2048xf32, #tpu.memory_space<vmem>>, %arg6: memref<2048xf32, #tpu.memory_space<vmem>>, %arg7: memref<32xf32, #tpu.memory_space<vmem>>, %arg8: memref<!tpu.dma_semaphore, #tpu.memory_space<semaphore_mem>>) attributes {dimension_semantics = [#tpu.dimension_semantics<core_parallel>, #tpu.dimension_semantics<subcore_parallel>], iteration_bounds = array<i64: 1, 16>, scalar_prefetch = 0 : i64, scratch_operands = 4 : i64, tpu.core_type = #tpu.core_type<sc_vector_subcore>, window_params = [{transform_indices = #map}, {transform_indices = #map}, {transform_indices = #map}]} {
    %mul3A = arith.constant 1 : i32
    %mul3A_0 = arith.muli %arg1, %mul3A : i32
    %add3A = arith.addi %mul3A_0, %arg0 : i32
    %mul3A_1 = arith.constant 2048 : i32
    %mul3A_2 = arith.muli %add3A, %mul3A_1 : i32
    %dma_start3A = tpu.memref_slice %arg2[%mul3A_2] : memref<32768xf32, #tpu.memory_space<hbm>> -> memref<2048xf32, #tpu.memory_space<hbm>>
    %dma_start3A_3 = tpu.memref_slice %arg2[%mul3A_2] : memref<32768xf32, #tpu.memory_space<hbm>> -> memref<2048xf32, #tpu.memory_space<hbm>>
    tpu.enqueue_dma source(%dma_start3A_3 : memref<2048xf32, #tpu.memory_space<hbm>>) target(%arg5 : memref<2048xf32, #tpu.memory_space<vmem>>) target_semaphore(%arg8 : memref<!tpu.dma_semaphore, #tpu.memory_space<semaphore_mem>>)
    tpu.enqueue_dma source(%arg3 : memref<32xf32, #tpu.memory_space<hbm>>) target(%arg7 : memref<32xf32, #tpu.memory_space<vmem>>) target_semaphore(%arg8 : memref<!tpu.dma_semaphore, #tpu.memory_space<semaphore_mem>>)
    %dma_wait3A = tpu.memref_slice %arg2[%mul3A_2] : memref<32768xf32, #tpu.memory_space<hbm>> -> memref<2048xf32, #tpu.memory_space<hbm>>
    %dma_wait3A_4 = tpu.memref_slice %arg2[%mul3A_2] : memref<32768xf32, #tpu.memory_space<hbm>> -> memref<2048xf32, #tpu.memory_space<hbm>>
    tpu.wait_dma2 semaphore(%arg8 : memref<!tpu.dma_semaphore, #tpu.memory_space<semaphore_mem>>) src(%dma_wait3A_4 : memref<2048xf32, #tpu.memory_space<hbm>>) dst(%arg5 : memref<2048xf32, #tpu.memory_space<vmem>>)
    tpu.wait_dma2 semaphore(%arg8 : memref<!tpu.dma_semaphore, #tpu.memory_space<semaphore_mem>>) src(%arg3 : memref<32xf32, #tpu.memory_space<hbm>>) dst(%arg7 : memref<32xf32, #tpu.memory_space<vmem>>)
    %get3A = arith.constant 0 : index
    %get3A_5 = tpu.vector_load %arg7[%get3A] {strides = array<i32>} : memref<32xf32, #tpu.memory_space<vmem>>, vector<16xf32>,
    %get3A_6 = vector.shape_cast %get3A_5 : vector<16xf32> to vector<16xf32>
    %get3A_7 = arith.constant 16 : index
    %get3A_8 = tpu.vector_load %arg7[%get3A_7] {strides = array<i32>} : memref<32xf32, #tpu.memory_space<vmem>>, vector<16xf32>,
    %get3A_9 = vector.shape_cast %get3A_8 : vector<16xf32> to vector<16xf32>
    %scan3A = arith.constant 0 : i32
    %scan3A_10 = arith.constant 0 : i32
    %scan3A_11 = arith.constant 8 : i32
    %scan3A_12 = arith.addi %scan3A_10, %scan3A_11 : i32
    %scan3A_13 = arith.constant 1 : i32
    scf.for %scan3A_15 = %scan3A_10 to %scan3A_12 step %scan3A_13  : i32 {
      %mul3A_16 = arith.constant 256 : i32
      %mul3A_17 = arith.muli %scan3A_15, %mul3A_16 : i32
      %add3A_18 = arith.constant 0 : i32
      %add3A_19 = arith.addi %mul3A_17, %add3A_18 : i32
      %get3A_20 = arith.index_cast %add3A_19 : i32 to index
      %get3A_21 = tpu.vector_load %arg5[%get3A_20] {strides = array<i32>} : memref<2048xf32, #tpu.memory_space<vmem>>, vector<16xf32>,
      %get3A_22 = vector.shape_cast %get3A_21 : vector<16xf32> to vector<16xf32>
      %sub3A = arith.constant 1.000000e+00 : f32
      %sub3A_23 = vector.broadcast %sub3A : f32 to vector<16xf32>
      %sub3A_24 = arith.subf %get3A_22, %sub3A_23 : vector<16xf32>
      %max3A = arith.constant 0.000000e+00 : f32
      %max3A_25 = vector.broadcast %max3A : f32 to vector<16xf32>
      %max3A_26 = arith.maximumf %sub3A_24, %max3A_25 : vector<16xf32>
      %mul3A_27 = arith.mulf %max3A_26, %get3A_6 : vector<16xf32>
      %add3A_28 = arith.addf %mul3A_27, %get3A_9 : vector<16xf32>
      %add3A_29 = arith.constant 0 : i32
      %add3A_30 = arith.addi %mul3A_17, %add3A_29 : i32
      %swap3A = arith.index_cast %add3A_30 : i32 to index
      %swap3A_31 = tpu.vector_load %arg6[%swap3A] {strides = array<i32>} : memref<2048xf32, #tpu.memory_space<vmem>>, vector<16xf32>,
      %swap3A_32 = vector.shape_cast %swap3A_31 : vector<16xf32> to vector<16xf32>
      %swap3A_33 = vector.shape_cast %add3A_28 : vector<16xf32> to vector<16xf32>
      tpu.vector_store %arg6[%swap3A], %swap3A_33 {strides = array<i32>} : memref<2048xf32, #tpu.memory_space<vmem>>, vector<16xf32>,
      %add3A_34 = arith.constant 16 : i32
      %add3A_35 = arith.addi %mul3A_17, %add3A_34 : i32
      %get3A_36 = arith.index_cast %add3A_35 : i32 to index
      %get3A_37 = tpu.vector_load %arg5[%get3A_36] {strides = array<i32>} : memref<2048xf32, #tpu.memory_space<vmem>>, vector<16xf32>,
      %get3A_38 = vector.shape_cast %get3A_37 : vector<16xf32> to vector<16xf32>
      %sub3A_39 = arith.constant 1.000000e+00 : f32
      %sub3A_40 = vector.broadcast %sub3A_39 : f32 to vector<16xf32>
      %sub3A_41 = arith.subf %get3A_38, %sub3A_40 : vector<16xf32>
      %max3A_42 = arith.constant 0.000000e+00 : f32
      %max3A_43 = vector.broadcast %max3A_42 : f32 to vector<16xf32>
      %max3A_44 = arith.maximumf %sub3A_41, %max3A_43 : vector<16xf32>
      %mul3A_45 = arith.mulf %max3A_44, %get3A_6 : vector<16xf32>
      %add3A_46 = arith.addf %mul3A_45, %get3A_9 : vector<16xf32>
      %add3A_47 = arith.constant 16 : i32
      %add3A_48 = arith.addi %mul3A_17, %add3A_47 : i32
      %swap3A_49 = arith.index_cast %add3A_48 : i32 to index
      %swap3A_50 = tpu.vector_load %arg6[%swap3A_49] {strides = array<i32>} : memref<2048xf32, #tpu.memory_space<vmem>>, vector<16xf32>,
      %swap3A_51 = vector.shape_cast %swap3A_50 : vector<16xf32> to vector<16xf32>
      %swap3A_52 = vector.shape_cast %add3A_46 : vector<16xf32> to vector<16xf32>
      tpu.vector_store %arg6[%swap3A_49], %swap3A_52 {strides = array<i32>} : memref<2048xf32, #tpu.memory_space<vmem>>, vector<16xf32>,
      %add3A_53 = arith.constant 32 : i32
      %add3A_54 = arith.addi %mul3A_17, %add3A_53 : i32
      %get3A_55 = arith.index_cast %add3A_54 : i32 to index
      %get3A_56 = tpu.vector_load %arg5[%get3A_55] {strides = array<i32>} : memref<2048xf32, #tpu.memory_space<vmem>>, vector<16xf32>,
      %get3A_57 = vector.shape_cast %get3A_56 : vector<16xf32> to vector<16xf32>
      %sub3A_58 = arith.constant 1.000000e+00 : f32
      %sub3A_59 = vector.broadcast %sub3A_58 : f32 to vector<16xf32>
      %sub3A_60 = arith.subf %get3A_57, %sub3A_59 : vector<16xf32>
      %max3A_61 = arith.constant 0.000000e+00 : f32
      %max3A_62 = vector.broadcast %max3A_61 : f32 to vector<16xf32>
      %max3A_63 = arith.maximumf %sub3A_60, %max3A_62 : vector<16xf32>
      %mul3A_64 = arith.mulf %max3A_63, %get3A_6 : vector<16xf32>
      %add3A_65 = arith.addf %mul3A_64, %get3A_9 : vector<16xf32>
      %add3A_66 = arith.constant 32 : i32
      %add3A_67 = arith.addi %mul3A_17, %add3A_66 : i32
      %swap3A_68 = arith.index_cast %add3A_67 : i32 to index
      %swap3A_69 = tpu.vector_load %arg6[%swap3A_68] {strides = array<i32>} : memref<2048xf32, #tpu.memory_space<vmem>>, vector<16xf32>,
      %swap3A_70 = vector.shape_cast %swap3A_69 : vector<16xf32> to vector<16xf32>
      %swap3A_71 = vector.shape_cast %add3A_65 : vector<16xf32> to vector<16xf32>
      tpu.vector_store %arg6[%swap3A_68], %swap3A_71 {strides = array<i32>} : memref<2048xf32, #tpu.memory_space<vmem>>, vector<16xf32>,
      %add3A_72 = arith.constant 48 : i32
      %add3A_73 = arith.addi %mul3A_17, %add3A_72 : i32
      %get3A_74 = arith.index_cast %add3A_73 : i32 to index
      %get3A_75 = tpu.vector_load %arg5[%get3A_74] {strides = array<i32>} : memref<2048xf32, #tpu.memory_space<vmem>>, vector<16xf32>,
      %get3A_76 = vector.shape_cast %get3A_75 : vector<16xf32> to vector<16xf32>
      %sub3A_77 = arith.constant 1.000000e+00 : f32
      %sub3A_78 = vector.broadcast %sub3A_77 : f32 to vector<16xf32>
      %sub3A_79 = arith.subf %get3A_76, %sub3A_78 : vector<16xf32>
      %max3A_80 = arith.constant 0.000000e+00 : f32
      %max3A_81 = vector.broadcast %max3A_80 : f32 to vector<16xf32>
      %max3A_82 = arith.maximumf %sub3A_79, %max3A_81 : vector<16xf32>
      %mul3A_83 = arith.mulf %max3A_82, %get3A_6 : vector<16xf32>
      %add3A_84 = arith.addf %mul3A_83, %get3A_9 : vector<16xf32>
      %add3A_85 = arith.constant 48 : i32
      %add3A_86 = arith.addi %mul3A_17, %add3A_85 : i32
      %swap3A_87 = arith.index_cast %add3A_86 : i32 to index
      %swap3A_88 = tpu.vector_load %arg6[%swap3A_87] {strides = array<i32>} : memref<2048xf32, #tpu.memory_space<vmem>>, vector<16xf32>,
      %swap3A_89 = vector.shape_cast %swap3A_88 : vector<16xf32> to vector<16xf32>
      %swap3A_90 = vector.shape_cast %add3A_84 : vector<16xf32> to vector<16xf32>
      tpu.vector_store %arg6[%swap3A_87], %swap3A_90 {strides = array<i32>} : memref<2048xf32, #tpu.memory_space<vmem>>, vector<16xf32>,
      %add3A_91 = arith.constant 64 : i32
      %add3A_92 = arith.addi %mul3A_17, %add3A_91 : i32
      %get3A_93 = arith.index_cast %add3A_92 : i32 to index
      %get3A_94 = tpu.vector_load %arg5[%get3A_93] {strides = array<i32>} : memref<2048xf32, #tpu.memory_space<vmem>>, vector<16xf32>,
      %get3A_95 = vector.shape_cast %get3A_94 : vector<16xf32> to vector<16xf32>
      %sub3A_96 = arith.constant 1.000000e+00 : f32
      %sub3A_97 = vector.broadcast %sub3A_96 : f32 to vector<16xf32>
      %sub3A_98 = arith.subf %get3A_95, %sub3A_97 : vector<16xf32>
      %max3A_99 = arith.constant 0.000000e+00 : f32
      %max3A_100 = vector.broadcast %max3A_99 : f32 to vector<16xf32>
      %max3A_101 = arith.maximumf %sub3A_98, %max3A_100 : vector<16xf32>
      %mul3A_102 = arith.mulf %max3A_101, %get3A_6 : vector<16xf32>
      %add3A_103 = arith.addf %mul3A_102, %get3A_9 : vector<16xf32>
      %add3A_104 = arith.constant 64 : i32
      %add3A_105 = arith.addi %mul3A_17, %add3A_104 : i32
      %swap3A_106 = arith.index_cast %add3A_105 : i32 to index
      %swap3A_107 = tpu.vector_load %arg6[%swap3A_106] {strides = array<i32>} : memref<2048xf32, #tpu.memory_space<vmem>>, vector<16xf32>,
      %swap3A_108 = vector.shape_cast %swap3A_107 : vector<16xf32> to vector<16xf32>
      %swap3A_109 = vector.shape_cast %add3A_103 : vector<16xf32> to vector<16xf32>
      tpu.vector_store %arg6[%swap3A_106], %swap3A_109 {strides = array<i32>} : memref<2048xf32, #tpu.memory_space<vmem>>, vector<16xf32>,
      %add3A_110 = arith.constant 80 : i32
      %add3A_111 = arith.addi %mul3A_17, %add3A_110 : i32
      %get3A_112 = arith.index_cast %add3A_111 : i32 to index
      %get3A_113 = tpu.vector_load %arg5[%get3A_112] {strides = array<i32>} : memref<2048xf32, #tpu.memory_space<vmem>>, vector<16xf32>,
      %get3A_114 = vector.shape_cast %get3A_113 : vector<16xf32> to vector<16xf32>
      %sub3A_115 = arith.constant 1.000000e+00 : f32
      %sub3A_116 = vector.broadcast %sub3A_115 : f32 to vector<16xf32>
      %sub3A_117 = arith.subf %get3A_114, %sub3A_116 : vector<16xf32>
      %max3A_118 = arith.constant 0.000000e+00 : f32
      %max3A_119 = vector.broadcast %max3A_118 : f32 to vector<16xf32>
      %max3A_120 = arith.maximumf %sub3A_117, %max3A_119 : vector<16xf32>
      %mul3A_121 = arith.mulf %max3A_120, %get3A_6 : vector<16xf32>
      %add3A_122 = arith.addf %mul3A_121, %get3A_9 : vector<16xf32>
      %add3A_123 = arith.constant 80 : i32
      %add3A_124 = arith.addi %mul3A_17, %add3A_123 : i32
      %swap3A_125 = arith.index_cast %add3A_124 : i32 to index
      %swap3A_126 = tpu.vector_load %arg6[%swap3A_125] {strides = array<i32>} : memref<2048xf32, #tpu.memory_space<vmem>>, vector<16xf32>,
      %swap3A_127 = vector.shape_cast %swap3A_126 : vector<16xf32> to vector<16xf32>
      %swap3A_128 = vector.shape_cast %add3A_122 : vector<16xf32> to vector<16xf32>
      tpu.vector_store %arg6[%swap3A_125], %swap3A_128 {strides = array<i32>} : memref<2048xf32, #tpu.memory_space<vmem>>, vector<16xf32>,
      %add3A_129 = arith.constant 96 : i32
      %add3A_130 = arith.addi %mul3A_17, %add3A_129 : i32
      %get3A_131 = arith.index_cast %add3A_130 : i32 to index
      %get3A_132 = tpu.vector_load %arg5[%get3A_131] {strides = array<i32>} : memref<2048xf32, #tpu.memory_space<vmem>>, vector<16xf32>,
      %get3A_133 = vector.shape_cast %get3A_132 : vector<16xf32> to vector<16xf32>
      %sub3A_134 = arith.constant 1.000000e+00 : f32
      %sub3A_135 = vector.broadcast %sub3A_134 : f32 to vector<16xf32>
      %sub3A_136 = arith.subf %get3A_133, %sub3A_135 : vector<16xf32>
      %max3A_137 = arith.constant 0.000000e+00 : f32
      %max3A_138 = vector.broadcast %max3A_137 : f32 to vector<16xf32>
      %max3A_139 = arith.maximumf %sub3A_136, %max3A_138 : vector<16xf32>
      %mul3A_140 = arith.mulf %max3A_139, %get3A_6 : vector<16xf32>
      %add3A_141 = arith.addf %mul3A_140, %get3A_9 : vector<16xf32>
      %add3A_142 = arith.constant 96 : i32
      %add3A_143 = arith.addi %mul3A_17, %add3A_142 : i32
      %swap3A_144 = arith.index_cast %add3A_143 : i32 to index
      %swap3A_145 = tpu.vector_load %arg6[%swap3A_144] {strides = array<i32>} : memref<2048xf32, #tpu.memory_space<vmem>>, vector<16xf32>,
      %swap3A_146 = vector.shape_cast %swap3A_145 : vector<16xf32> to vector<16xf32>
      %swap3A_147 = vector.shape_cast %add3A_141 : vector<16xf32> to vector<16xf32>
      tpu.vector_store %arg6[%swap3A_144], %swap3A_147 {strides = array<i32>} : memref<2048xf32, #tpu.memory_space<vmem>>, vector<16xf32>,
      %add3A_148 = arith.constant 112 : i32
      %add3A_149 = arith.addi %mul3A_17, %add3A_148 : i32
      %get3A_150 = arith.index_cast %add3A_149 : i32 to index
      %get3A_151 = tpu.vector_load %arg5[%get3A_150] {strides = array<i32>} : memref<2048xf32, #tpu.memory_space<vmem>>, vector<16xf32>,
      %get3A_152 = vector.shape_cast %get3A_151 : vector<16xf32> to vector<16xf32>
      %sub3A_153 = arith.constant 1.000000e+00 : f32
      %sub3A_154 = vector.broadcast %sub3A_153 : f32 to vector<16xf32>
      %sub3A_155 = arith.subf %get3A_152, %sub3A_154 : vector<16xf32>
      %max3A_156 = arith.constant 0.000000e+00 : f32
      %max3A_157 = vector.broadcast %max3A_156 : f32 to vector<16xf32>
      %max3A_158 = arith.maximumf %sub3A_155, %max3A_157 : vector<16xf32>
      %mul3A_159 = arith.mulf %max3A_158, %get3A_6 : vector<16xf32>
      %add3A_160 = arith.addf %mul3A_159, %get3A_9 : vector<16xf32>
      %add3A_161 = arith.constant 112 : i32
      %add3A_162 = arith.addi %mul3A_17, %add3A_161 : i32
      %swap3A_163 = arith.index_cast %add3A_162 : i32 to index
      %swap3A_164 = tpu.vector_load %arg6[%swap3A_163] {strides = array<i32>} : memref<2048xf32, #tpu.memory_space<vmem>>, vector<16xf32>,
      %swap3A_165 = vector.shape_cast %swap3A_164 : vector<16xf32> to vector<16xf32>
      %swap3A_166 = vector.shape_cast %add3A_160 : vector<16xf32> to vector<16xf32>
      tpu.vector_store %arg6[%swap3A_163], %swap3A_166 {strides = array<i32>} : memref<2048xf32, #tpu.memory_space<vmem>>, vector<16xf32>,
      %add3A_167 = arith.constant 128 : i32
      %add3A_168 = arith.addi %mul3A_17, %add3A_167 : i32
      %get3A_169 = arith.index_cast %add3A_168 : i32 to index
      %get3A_170 = tpu.vector_load %arg5[%get3A_169] {strides = array<i32>} : memref<2048xf32, #tpu.memory_space<vmem>>, vector<16xf32>,
      %get3A_171 = vector.shape_cast %get3A_170 : vector<16xf32> to vector<16xf32>
      %sub3A_172 = arith.constant 1.000000e+00 : f32
      %sub3A_173 = vector.broadcast %sub3A_172 : f32 to vector<16xf32>
      %sub3A_174 = arith.subf %get3A_171, %sub3A_173 : vector<16xf32>
      %max3A_175 = arith.constant 0.000000e+00 : f32
      %max3A_176 = vector.broadcast %max3A_175 : f32 to vector<16xf32>
      %max3A_177 = arith.maximumf %sub3A_174, %max3A_176 : vector<16xf32>
      %mul3A_178 = arith.mulf %max3A_177, %get3A_6 : vector<16xf32>
      %add3A_179 = arith.addf %mul3A_178, %get3A_9 : vector<16xf32>
      %add3A_180 = arith.constant 128 : i32
      %add3A_181 = arith.addi %mul3A_17, %add3A_180 : i32
      %swap3A_182 = arith.index_cast %add3A_181 : i32 to index
      %swap3A_183 = tpu.vector_load %arg6[%swap3A_182] {strides = array<i32>} : memref<2048xf32, #tpu.memory_space<vmem>>, vector<16xf32>,
      %swap3A_184 = vector.shape_cast %swap3A_183 : vector<16xf32> to vector<16xf32>
      %swap3A_185 = vector.shape_cast %add3A_179 : vector<16xf32> to vector<16xf32>
      tpu.vector_store %arg6[%swap3A_182], %swap3A_185 {strides = array<i32>} : memref<2048xf32, #tpu.memory_space<vmem>>, vector<16xf32>,
      %add3A_186 = arith.constant 144 : i32
      %add3A_187 = arith.addi %mul3A_17, %add3A_186 : i32
      %get3A_188 = arith.index_cast %add3A_187 : i32 to index
      %get3A_189 = tpu.vector_load %arg5[%get3A_188] {strides = array<i32>} : memref<2048xf32, #tpu.memory_space<vmem>>, vector<16xf32>,
      %get3A_190 = vector.shape_cast %get3A_189 : vector<16xf32> to vector<16xf32>
      %sub3A_191 = arith.constant 1.000000e+00 : f32
      %sub3A_192 = vector.broadcast %sub3A_191 : f32 to vector<16xf32>
      %sub3A_193 = arith.subf %get3A_190, %sub3A_192 : vector<16xf32>
      %max3A_194 = arith.constant 0.000000e+00 : f32
      %max3A_195 = vector.broadcast %max3A_194 : f32 to vector<16xf32>
      %max3A_196 = arith.maximumf %sub3A_193, %max3A_195 : vector<16xf32>
      %mul3A_197 = arith.mulf %max3A_196, %get3A_6 : vector<16xf32>
      %add3A_198 = arith.addf %mul3A_197, %get3A_9 : vector<16xf32>
      %add3A_199 = arith.constant 144 : i32
      %add3A_200 = arith.addi %mul3A_17, %add3A_199 : i32
      %swap3A_201 = arith.index_cast %add3A_200 : i32 to index
      %swap3A_202 = tpu.vector_load %arg6[%swap3A_201] {strides = array<i32>} : memref<2048xf32, #tpu.memory_space<vmem>>, vector<16xf32>,
      %swap3A_203 = vector.shape_cast %swap3A_202 : vector<16xf32> to vector<16xf32>
      %swap3A_204 = vector.shape_cast %add3A_198 : vector<16xf32> to vector<16xf32>
      tpu.vector_store %arg6[%swap3A_201], %swap3A_204 {strides = array<i32>} : memref<2048xf32, #tpu.memory_space<vmem>>, vector<16xf32>,
      %add3A_205 = arith.constant 160 : i32
      %add3A_206 = arith.addi %mul3A_17, %add3A_205 : i32
      %get3A_207 = arith.index_cast %add3A_206 : i32 to index
      %get3A_208 = tpu.vector_load %arg5[%get3A_207] {strides = array<i32>} : memref<2048xf32, #tpu.memory_space<vmem>>, vector<16xf32>,
      %get3A_209 = vector.shape_cast %get3A_208 : vector<16xf32> to vector<16xf32>
      %sub3A_210 = arith.constant 1.000000e+00 : f32
      %sub3A_211 = vector.broadcast %sub3A_210 : f32 to vector<16xf32>
      %sub3A_212 = arith.subf %get3A_209, %sub3A_211 : vector<16xf32>
      %max3A_213 = arith.constant 0.000000e+00 : f32
      %max3A_214 = vector.broadcast %max3A_213 : f32 to vector<16xf32>
      %max3A_215 = arith.maximumf %sub3A_212, %max3A_214 : vector<16xf32>
      %mul3A_216 = arith.mulf %max3A_215, %get3A_6 : vector<16xf32>
      %add3A_217 = arith.addf %mul3A_216, %get3A_9 : vector<16xf32>
      %add3A_218 = arith.constant 160 : i32
      %add3A_219 = arith.addi %mul3A_17, %add3A_218 : i32
      %swap3A_220 = arith.index_cast %add3A_219 : i32 to index
      %swap3A_221 = tpu.vector_load %arg6[%swap3A_220] {strides = array<i32>} : memref<2048xf32, #tpu.memory_space<vmem>>, vector<16xf32>,
      %swap3A_222 = vector.shape_cast %swap3A_221 : vector<16xf32> to vector<16xf32>
      %swap3A_223 = vector.shape_cast %add3A_217 : vector<16xf32> to vector<16xf32>
      tpu.vector_store %arg6[%swap3A_220], %swap3A_223 {strides = array<i32>} : memref<2048xf32, #tpu.memory_space<vmem>>, vector<16xf32>,
      %add3A_224 = arith.constant 176 : i32
      %add3A_225 = arith.addi %mul3A_17, %add3A_224 : i32
      %get3A_226 = arith.index_cast %add3A_225 : i32 to index
      %get3A_227 = tpu.vector_load %arg5[%get3A_226] {strides = array<i32>} : memref<2048xf32, #tpu.memory_space<vmem>>, vector<16xf32>,
      %get3A_228 = vector.shape_cast %get3A_227 : vector<16xf32> to vector<16xf32>
      %sub3A_229 = arith.constant 1.000000e+00 : f32
      %sub3A_230 = vector.broadcast %sub3A_229 : f32 to vector<16xf32>
      %sub3A_231 = arith.subf %get3A_228, %sub3A_230 : vector<16xf32>
      %max3A_232 = arith.constant 0.000000e+00 : f32
      %max3A_233 = vector.broadcast %max3A_232 : f32 to vector<16xf32>
      %max3A_234 = arith.maximumf %sub3A_231, %max3A_233 : vector<16xf32>
      %mul3A_235 = arith.mulf %max3A_234, %get3A_6 : vector<16xf32>
      %add3A_236 = arith.addf %mul3A_235, %get3A_9 : vector<16xf32>
      %add3A_237 = arith.constant 176 : i32
      %add3A_238 = arith.addi %mul3A_17, %add3A_237 : i32
      %swap3A_239 = arith.index_cast %add3A_238 : i32 to index
      %swap3A_240 = tpu.vector_load %arg6[%swap3A_239] {strides = array<i32>} : memref<2048xf32, #tpu.memory_space<vmem>>, vector<16xf32>,
      %swap3A_241 = vector.shape_cast %swap3A_240 : vector<16xf32> to vector<16xf32>
      %swap3A_242 = vector.shape_cast %add3A_236 : vector<16xf32> to vector<16xf32>
      tpu.vector_store %arg6[%swap3A_239], %swap3A_242 {strides = array<i32>} : memref<2048xf32, #tpu.memory_space<vmem>>, vector<16xf32>,
      %add3A_243 = arith.constant 192 : i32
      %add3A_244 = arith.addi %mul3A_17, %add3A_243 : i32
      %get3A_245 = arith.index_cast %add3A_244 : i32 to index
      %get3A_246 = tpu.vector_load %arg5[%get3A_245] {strides = array<i32>} : memref<2048xf32, #tpu.memory_space<vmem>>, vector<16xf32>,
      %get3A_247 = vector.shape_cast %get3A_246 : vector<16xf32> to vector<16xf32>
      %sub3A_248 = arith.constant 1.000000e+00 : f32
      %sub3A_249 = vector.broadcast %sub3A_248 : f32 to vector<16xf32>
      %sub3A_250 = arith.subf %get3A_247, %sub3A_249 : vector<16xf32>
      %max3A_251 = arith.constant 0.000000e+00 : f32
      %max3A_252 = vector.broadcast %max3A_251 : f32 to vector<16xf32>
      %max3A_253 = arith.maximumf %sub3A_250, %max3A_252 : vector<16xf32>
      %mul3A_254 = arith.mulf %max3A_253, %get3A_6 : vector<16xf32>
      %add3A_255 = arith.addf %mul3A_254, %get3A_9 : vector<16xf32>
      %add3A_256 = arith.constant 192 : i32
      %add3A_257 = arith.addi %mul3A_17, %add3A_256 : i32
      %swap3A_258 = arith.index_cast %add3A_257 : i32 to index
      %swap3A_259 = tpu.vector_load %arg6[%swap3A_258] {strides = array<i32>} : memref<2048xf32, #tpu.memory_space<vmem>>, vector<16xf32>,
      %swap3A_260 = vector.shape_cast %swap3A_259 : vector<16xf32> to vector<16xf32>
      %swap3A_261 = vector.shape_cast %add3A_255 : vector<16xf32> to vector<16xf32>
      tpu.vector_store %arg6[%swap3A_258], %swap3A_261 {strides = array<i32>} : memref<2048xf32, #tpu.memory_space<vmem>>, vector<16xf32>,
      %add3A_262 = arith.constant 208 : i32
      %add3A_263 = arith.addi %mul3A_17, %add3A_262 : i32
      %get3A_264 = arith.index_cast %add3A_263 : i32 to index
      %get3A_265 = tpu.vector_load %arg5[%get3A_264] {strides = array<i32>} : memref<2048xf32, #tpu.memory_space<vmem>>, vector<16xf32>,
      %get3A_266 = vector.shape_cast %get3A_265 : vector<16xf32> to vector<16xf32>
      %sub3A_267 = arith.constant 1.000000e+00 : f32
      %sub3A_268 = vector.broadcast %sub3A_267 : f32 to vector<16xf32>
      %sub3A_269 = arith.subf %get3A_266, %sub3A_268 : vector<16xf32>
      %max3A_270 = arith.constant 0.000000e+00 : f32
      %max3A_271 = vector.broadcast %max3A_270 : f32 to vector<16xf32>
      %max3A_272 = arith.maximumf %sub3A_269, %max3A_271 : vector<16xf32>
      %mul3A_273 = arith.mulf %max3A_272, %get3A_6 : vector<16xf32>
      %add3A_274 = arith.addf %mul3A_273, %get3A_9 : vector<16xf32>
      %add3A_275 = arith.constant 208 : i32
      %add3A_276 = arith.addi %mul3A_17, %add3A_275 : i32
      %swap3A_277 = arith.index_cast %add3A_276 : i32 to index
      %swap3A_278 = tpu.vector_load %arg6[%swap3A_277] {strides = array<i32>} : memref<2048xf32, #tpu.memory_space<vmem>>, vector<16xf32>,
      %swap3A_279 = vector.shape_cast %swap3A_278 : vector<16xf32> to vector<16xf32>
      %swap3A_280 = vector.shape_cast %add3A_274 : vector<16xf32> to vector<16xf32>
      tpu.vector_store %arg6[%swap3A_277], %swap3A_280 {strides = array<i32>} : memref<2048xf32, #tpu.memory_space<vmem>>, vector<16xf32>,
      %add3A_281 = arith.constant 224 : i32
      %add3A_282 = arith.addi %mul3A_17, %add3A_281 : i32
      %get3A_283 = arith.index_cast %add3A_282 : i32 to index
      %get3A_284 = tpu.vector_load %arg5[%get3A_283] {strides = array<i32>} : memref<2048xf32, #tpu.memory_space<vmem>>, vector<16xf32>,
      %get3A_285 = vector.shape_cast %get3A_284 : vector<16xf32> to vector<16xf32>
      %sub3A_286 = arith.constant 1.000000e+00 : f32
      %sub3A_287 = vector.broadcast %sub3A_286 : f32 to vector<16xf32>
      %sub3A_288 = arith.subf %get3A_285, %sub3A_287 : vector<16xf32>
      %max3A_289 = arith.constant 0.000000e+00 : f32
      %max3A_290 = vector.broadcast %max3A_289 : f32 to vector<16xf32>
      %max3A_291 = arith.maximumf %sub3A_288, %max3A_290 : vector<16xf32>
      %mul3A_292 = arith.mulf %max3A_291, %get3A_6 : vector<16xf32>
      %add3A_293 = arith.addf %mul3A_292, %get3A_9 : vector<16xf32>
      %add3A_294 = arith.constant 224 : i32
      %add3A_295 = arith.addi %mul3A_17, %add3A_294 : i32
      %swap3A_296 = arith.index_cast %add3A_295 : i32 to index
      %swap3A_297 = tpu.vector_load %arg6[%swap3A_296] {strides = array<i32>} : memref<2048xf32, #tpu.memory_space<vmem>>, vector<16xf32>,
      %swap3A_298 = vector.shape_cast %swap3A_297 : vector<16xf32> to vector<16xf32>
      %swap3A_299 = vector.shape_cast %add3A_293 : vector<16xf32> to vector<16xf32>
      tpu.vector_store %arg6[%swap3A_296], %swap3A_299 {strides = array<i32>} : memref<2048xf32, #tpu.memory_space<vmem>>, vector<16xf32>,
      %add3A_300 = arith.constant 240 : i32
      %add3A_301 = arith.addi %mul3A_17, %add3A_300 : i32
      %get3A_302 = arith.index_cast %add3A_301 : i32 to index
      %get3A_303 = tpu.vector_load %arg5[%get3A_302] {strides = array<i32>} : memref<2048xf32, #tpu.memory_space<vmem>>, vector<16xf32>,
      %get3A_304 = vector.shape_cast %get3A_303 : vector<16xf32> to vector<16xf32>
      %sub3A_305 = arith.constant 1.000000e+00 : f32
      %sub3A_306 = vector.broadcast %sub3A_305 : f32 to vector<16xf32>
      %sub3A_307 = arith.subf %get3A_304, %sub3A_306 : vector<16xf32>
      %max3A_308 = arith.constant 0.000000e+00 : f32
      %max3A_309 = vector.broadcast %max3A_308 : f32 to vector<16xf32>
      %max3A_310 = arith.maximumf %sub3A_307, %max3A_309 : vector<16xf32>
      %mul3A_311 = arith.mulf %max3A_310, %get3A_6 : vector<16xf32>
      %add3A_312 = arith.addf %mul3A_311, %get3A_9 : vector<16xf32>
      %add3A_313 = arith.constant 240 : i32
      %add3A_314 = arith.addi %mul3A_17, %add3A_313 : i32
      %swap3A_315 = arith.index_cast %add3A_314 : i32 to index
      %swap3A_316 = tpu.vector_load %arg6[%swap3A_315] {strides = array<i32>} : memref<2048xf32, #tpu.memory_space<vmem>>, vector<16xf32>,
      %swap3A_317 = vector.shape_cast %swap3A_316 : vector<16xf32> to vector<16xf32>
      %swap3A_318 = vector.shape_cast %add3A_312 : vector<16xf32> to vector<16xf32>
      tpu.vector_store %arg6[%swap3A_315], %swap3A_318 {strides = array<i32>} : memref<2048xf32, #tpu.memory_space<vmem>>, vector<16xf32>,
    }
    %scan3A_14 = arith.constant 8 : i32
    "tpu.region"() ({
      %run_scoped3A = tpu.sem_alloc : memref<!tpu.dma_semaphore, #tpu.memory_space<semaphore_mem>>
      %dma_start3A_15 = tpu.memref_slice %arg4[%mul3A_2] : memref<32768xf32, #tpu.memory_space<hbm>> -> memref<2048xf32, #tpu.memory_space<hbm>>
      %dma_start3A_16 = tpu.memref_slice %arg4[%mul3A_2] : memref<32768xf32, #tpu.memory_space<hbm>> -> memref<2048xf32, #tpu.memory_space<hbm>>
      tpu.enqueue_dma source(%arg6 : memref<2048xf32, #tpu.memory_space<vmem>>) target(%dma_start3A_16 : memref<2048xf32, #tpu.memory_space<hbm>>) target_semaphore(%run_scoped3A : memref<!tpu.dma_semaphore, #tpu.memory_space<semaphore_mem>>)
      %dma_wait3A_17 = tpu.memref_slice %arg4[%mul3A_2] : memref<32768xf32, #tpu.memory_space<hbm>> -> memref<2048xf32, #tpu.memory_space<hbm>>
      %dma_wait3A_18 = tpu.memref_slice %arg4[%mul3A_2] : memref<32768xf32, #tpu.memory_space<hbm>> -> memref<2048xf32, #tpu.memory_space<hbm>>
      tpu.wait_dma2 semaphore(%run_scoped3A : memref<!tpu.dma_semaphore, #tpu.memory_space<semaphore_mem>>) src(%arg6 : memref<2048xf32, #tpu.memory_space<vmem>>) dst(%dma_wait3A_18 : memref<2048xf32, #tpu.memory_space<hbm>>)
      tpu.yield
    }) : () -> ()
    return
  }
}

</mosaic_0001>

<sc_bundles>
// kernel: _branch_module.3.cloned.1.call-start
scs
__scs_entry_jumppad:
0x0: {  	(pc) =	sbr.rel $0x88, $3  }
0x1: {  	(tag) =	ssettag $0x0;
	lr =	simm.s32 $0x1  }
0x2: {  	[smem:$0x3F9F] =	sst lr;
	_ =	strace $0xD0000000  }
0x3: {  	_ = 	snop  }
0x4: {  	_ = 	snop  }
0x5: {  	_ = 	snop  }
0x6: {  	_ = 	snop  }
0x7: {  	_ = 	snop  }
__scs_overlays_trampoline_lowered:
0x8: {  	[smem:$0x3FAE] =	sst s0  }
0x9: {  	[smem:$0x3FAF] =	sst s1  }
0xa: {  	[smem:$0x3FB0] =	sst s2  }
0xb: {  	[smem:$0x3FB1] =	sst s3  }
0xc: {  	[smem:$0x3FB2] =	sst s4  }
0xd: {  	[smem:$0x3FB3] =	sst s5  }
0xe: {  	[smem:$0x3FB4] =	sst s6  }
0xf: {  	[smem:$0x3FB5] =	sst s7  }
0x10: {  	[smem:$0x3FB6] =	sst s8  }
0x11: {  	[smem:$0x3FB7] =	sst s9;
	s0 =	simm.s32 @!p0 $0x0  }
0x12: {  	s1 =	sld [smem:$0x3F9D];
	s0 =	simm.s32 @p0 $0x1  }
0x13: {  	[smem:$0x3FB8] =	sst s0;
	s0 =	simm.s32 @!p1 $0x0  }
0x14: {  	s2 =	sld [smem:$0x3F9C];
	s0 =	simm.s32 @p1 $0x1  }
0x15: {  	[smem:$0x3FB9] =	sst s0;
	s0 =	simm.s32 @!p2 $0x0  }
0x16: {  	s3 =	sld [smem:$0x3FDB];
	s0 =	simm.s32 @p2 $0x1  }
0x17: {  	s4 =	simm.s32 $0x1BF5;
	[smem:$0x3FBB] =	sst s0  }
0x18: {  	s0 =	sld [smem:$0x3F9E];
	_ =	swait.ge [sflag:s4], $0x0  }
0x19: {  	s7 =	sld [smem:$0x3F9F]  }
0x1a: {  	s8 =	sadd.s32 $0xFFFFE003, lr  }
0x1b: {  	s9 =	sadd.s32 $0xFFFFFEF7, lr;
	s5 =	simm.s32 $0xFFFFFFFF;
	p2 =	slt.u32 s8, $0xFFFFF086  }
0x1c: {  	p1 =	slt.u32 s9, $0xF7A;
	s5 =	simm.s32 @!p2 $0x0  }
0x1d: {  	s5 =	simm.s32 @p1 $0x1;
	p0 =	seq.s32 s7, s2  }
0x1e: {  	s7 =	smul.u32 @!p0 $0xF7A, s2;
	p2 =	seq.s32 @!p0 s5, $0x0  }
0x1f: {  	s9 =	smul.u32 $0xF7A, s1;
	s8 =	simm.s32 @!p0 $0x1BF5;
	p2 =	por !p2, p0  }
0x20: {  	[sflag:s8] =	ssyncset.s32 @!p0 $0xFFFFF086;
	s6 =	sadd.s32 @!p0 s3, s7;
	s7 =	simm.s32 @!p0 $0x108  }
0x21: {  	s3 =	sadd.s32 s3, s9;
	s6 =	sadd.s32 @!p0 $0x88, s6;
	s7 =	simm.s32 @p2 $0x1082  }
0x22: {  	[simem:s7], [sflag:s8] =	dma.local @!p0 [hbm:s6], $0xF7A  }
0x23: {  	s9 =	sor.u32 $0xD0000000, s2;
	s6 =	simm.s32 $0x108;
	_ =	swait.ge @!p0 [sflag:s8], $0x0  }
0x24: {  	s3 =	sadd.s32 $0x88, s3;
	s6 =	simm.s32 @!p1 $0x1082;
	[sflag:s4] =	ssyncset.s32 $0xFFFFF086  }
0x25: {  	[simem:s6], [sflag:s4] =	dma.local [hbm:s3], $0xF7A  }
0x26: {  	[smem:$0x3F9F] =	sst s1;
	(tag) =	ssettag s2;
	_ =	strace s9  }
0x27: {  	s1 =	sld [smem:$0x3FAF]  }
0x28: {  	s2 =	sld [smem:$0x3FB0]  }
0x29: {  	s4 =	sld [smem:$0x3FB2]  }
0x2a: {  	p0 =	seq.s32 s5, $0x0;
	s5 =	sld [smem:$0x3FB3]  }
0x2b: {  	s6 =	sld [smem:$0x3FB4]  }
0x2c: {  	s7 =	sld [smem:$0x3FB5]  }
0x2d: {  	s3 =	simm.s32 $0x108;
	s8 =	sld [smem:$0x3FB6]  }
0x2e: {  	s3 =	simm.s32 @!p0 $0x1082;
	s9 =	sld [smem:$0x3FB7]  }
0x2f: {  	lr =	sadd.s32 s0, s3;
	s0 =	sld [smem:$0x3FAE]  }
0x30: {  	s3 =	sld [smem:$0x3FB1]  }
0x31: {  	[smem:$0x3FBA] =	sst s10  }
0x32: {  	s10 =	sld [smem:$0x3FB8];
	_ =	sdelay $0x3  }
0x33: {  	p0 =	seq.s32 s10, $0x1;
	s10 =	sld [smem:$0x3FBA];
	_ =	sdelay $0x3  }
0x34: {  	[smem:$0x3FBA] =	sst s10  }
0x35: {  	s10 =	sld [smem:$0x3FB9];
	_ =	sdelay $0x3  }
0x36: {  	p1 =	seq.s32 s10, $0x1;
	s10 =	sld [smem:$0x3FBA];
	_ =	sdelay $0x3  }
0x37: {  	[smem:$0x3FBA] =	sst s10  }
0x38: {  	s10 =	sld [smem:$0x3FBB]  }
0x39: {  	_ = 	snop;
	(pc) =	sbr.ind lr, $3  }
0x3a: {  	_ = 	snop  }
0x3b: {  	_ = 	snop  }
0x3c: {  	p2 =	seq.s32 s10, $0x1;
	s10 =	sld [smem:$0x3FBA]  }
0x3d: {  	_ =	shalt  }
0x3e: {  	_ =	shalt  }
0x3f: {  	_ =	shalt  }
0x40: {  	_ =	shalt  }
0x41: {  	_ =	shalt  }
0x42: {  	_ =	shalt  }
0x43: {  	_ =	shalt  }
0x44: {  	_ =	shalt  }
0x45: {  	_ =	shalt  }
0x46: {  	_ =	shalt  }
0x47: {  	_ =	shalt  }
0x48: {  	_ =	shalt  }
0x49: {  	_ =	shalt  }
0x4a: {  	_ =	shalt  }
0x4b: {  	_ =	shalt  }
0x4c: {  	_ =	shalt  }
0x4d: {  	_ =	shalt  }
0x4e: {  	_ =	shalt  }
0x4f: {  	_ =	shalt  }
0x50: {  	_ =	shalt  }
0x51: {  	_ =	shalt  }
0x52: {  	_ =	shalt  }
0x53: {  	_ =	shalt  }
0x54: {  	_ =	shalt  }
0x55: {  	_ =	shalt  }
0x56: {  	_ =	shalt  }
0x57: {  	_ =	shalt  }
0x58: {  	_ =	shalt  }
0x59: {  	_ =	shalt  }
0x5a: {  	_ =	shalt  }
0x5b: {  	_ =	shalt  }
0x5c: {  	_ =	shalt  }
0x5d: {  	_ =	shalt  }
0x5e: {  	_ =	shalt  }
0x5f: {  	_ =	shalt  }
0x60: {  	_ =	shalt  }
0x61: {  	_ =	shalt  }
0x62: {  	_ =	shalt  }
0x63: {  	_ =	shalt  }
0x64: {  	_ =	shalt  }
0x65: {  	_ =	shalt  }
0x66: {  	_ =	shalt  }
0x67: {  	_ =	shalt  }
0x68: {  	_ =	shalt  }
0x69: {  	_ =	shalt  }
0x6a: {  	_ =	shalt  }
0x6b: {  	_ =	shalt  }
0x6c: {  	_ =	shalt  }
0x6d: {  	_ =	shalt  }
0x6e: {  	_ =	shalt  }
0x6f: {  	_ =	shalt  }
0x70: {  	_ =	shalt  }
0x71: {  	_ =	shalt  }
0x72: {  	_ =	shalt  }
0x73: {  	_ =	shalt  }
0x74: {  	_ =	shalt  }
0x75: {  	_ =	shalt  }
0x76: {  	_ =	shalt  }
0x77: {  	_ =	shalt  }
0x78: {  	_ =	shalt  }
0x79: {  	_ =	shalt  }
0x7a: {  	_ =	shalt  }
0x7b: {  	_ =	shalt  }
0x7c: {  	_ =	shalt  }
0x7d: {  	_ =	shalt  }
0x7e: {  	_ =	shalt  }
0x7f: {  	_ =	shalt  }
0x80: {  	_ =	shalt  }
0x81: {  	_ =	shalt  }
0x82: {  	_ =	shalt  }
0x83: {  	_ =	shalt  }
0x84: {  	_ =	shalt  }
0x85: {  	_ =	shalt  }
0x86: {  	_ =	shalt  }
0x87: {  	_ =	shalt  }
.Lfunc_end0:
.L_simem_size_0:
called_computation_lowered:
.L_overlay_start_0:
0x88: {  	s0 =	sld [smem:$0x3FD9]  }
0x89: {  	s1 =	sld [smem:$0x3FFE];
	_ =	sdelay $0x3  }
0x8a: {  	s0 =	sadd.s32 s1, s0  }
0x8b: {  	[smem:$0x3FC6] =	sst s0  }
0x8c: {  	_ = 	snop  }
0x8d: {  	s0 =	sld [smem:$0x3FC9]  }
0x8e: {  	s17 =	sld [smem:$0x3FC8]  }
0x8f: {  	s2 =	sld [smem:$0x3FD0];
	(tm) =	ssettm $0x1  }
0x90: {  	s3 =	sld [smem:$0x3FFB];
	_ =	sdelay $0x3  }
0x91: {  	_ =	strace s3  }
0x92: {  	s3 =	sld [smem:$0x3FFC];
	_ =	sdelay $0x3  }
0x93: {  	_ =	strace s3  }
0x94: {  	s3 =	sld [smem:$0x3FFD];
	_ =	sdelay $0x3  }
0x95: {  	_ =	strace s3  }
0x96: {  	_ =	strace $0x8FFFFFFF  }
0x97: {  	s18 =	sld [smem:$0x3FDB];
	_ =	sdelay $0x1  }
0x98: {  	s4 =	simm.s32 $_scs_section_size  }
0x99: {  	s5 =	simm.s32 $_size__tile_overlayer_lowered;
	s6 =	simm.s32 $_tile_overlayer_lowered  }
0x9a: {  	s21 =	simm.s32 $0x1BFF;
	s20 =	sshll.u32 s6, $0x1;
	s3 =	sadd.s32 s4, s18  }
0x9b: {  	s7 =	simm.s32 $0x0;
	s19 =	sshll.u32 s5, $0x1;
	s5 =	sadd.s32 s20, s3  }
0x9c: {  	[timem:s7], [sflag:s21] =	dma.local [hbm:s5], s19  }
0x9d: {  	_ =	swait.ge [sflag:s21], s19  }
0x9e: {  	s4 =	ssub.s32 $0x0, s19;
	[sflag:s21] =	ssyncset.done $0x0  }
0x9f: {  	[sflag:s21] =	ssyncadd.s32 s4;
	_ =	sdelay $0x1  }
0xa0: {  	s22 =	simm.s32 $0x1B8B  }
0xa1: {  	_ =	swait.ge [sflag:s22], $0x1  }
0xa2: {  	[sflag:s22] =	ssyncset.done $0x0  }
0xa3: {  	s23 =	simm.s32 $0x1B8E;
	[sflag:s22] =	ssyncadd.s32 $0xFFFFFFFF  }
0xa4: {  	s24 =	simm.s32 $execute0_lowered;
	[smem:$0x3FD2] =	sst s23  }
0xa5: {  	s4 =	sshll.u32 s24, $0x1;
	_ =	strace $0x80000046;
	[dreg:$0x1] =	wrdreg $0xFFFFFFFF  }
0xa6: {  	s25 =	simm.s32 $_size_execute0_lowered;
	s3 =	sadd.s32 s3, s4;
	[dreg:$0x0] =	wrdreg $0x0  }
0xa7: {  	s4 =	sshll.u32 s25, $0x1;
	[dreg:$0x2] =	wrdreg s3  }
0xa8: {  	[dreg:$0x3] =	wrdreg s4  }
0xa9: {  	[dreg:$0x4] =	wrdreg $0xC0  }
0xaa: {  	_ =	task [dreg:s7], $0x5FFFF  }
0xab: {  	[dreg:$0x1] =	wrdreg $0xFFFFFFFF  }
0xac: {  	[dreg:$0x0] =	wrdreg $0x60  }
0xad: {  	[dreg:$0x2] =	wrdreg s0  }
0xae: {  	[dreg:$0x3] =	wrdreg s17  }
0xaf: {  	[dreg:$0x4] =	wrdreg s2  }
0xb0: {  	[dreg:$0x5] =	wrdreg $0x9  }
0xb1: {  	_ =	task.clear_ibuf [dreg:s7], $0x6FFFF;
	_ =	strace $0x90000046  }
0xb2: {  	s26 =	simm.s32 $0x9;
	_ =	strace $0x80000048  }
0xb3: {  	_ =	swait.ge [sflag:s26], $0x1  }
0xb4: {  	[sflag:s26] =	ssyncadd.s32 $0xFFFFFFFF  }
0xb5: {  	_ =	strace $0x90000048  }
0xb6: {  	_ =	sfence  }
0xb7: {  	s28 =	sld [smem:$0x0];
	_ =	sdelay $0x1  }
0xb8: {  	s29 =	srdreg.scid  }
0xb9: {  	s30 =	sshll.u32 s29, $0xD;
	s31 =	sshrl.u32 s29, $0x2  }
0xba: {  	s1 =	sand.u32 $0x1, s29;
	s2 =	sand.u32 $0x4000, s30;
	s0 =	sadd.s32 s31, s28  }
0xbb: {  	s1 =	sor.u32 s2, s1;
	s0 =	sshll.u32 s0, $0x11  }
0xbc: {  	s0 =	sor.u32 s0, s1  }
0xbd: {  	s0 =	sadd.s32 $0x8F2B, s0  }
0xbe: {  	[sflag:s0] =	ssyncadd.remote.s32 $0x1  }
0xbf: {  	_ =	sfence.sel $0xFFFF  }
0xc0: {  	[dreg:$0x0] =	wrdreg $0xFFFFFFFF;
	(pc) =	sbr.abs _section_cstart, $3  }
0xc1: {  	[dreg:$0x1] =	wrdreg $0xFFFFFFFF  }
0xc2: {  	_ =	task.clear_ibuf [dreg:s7], $0x2FFFF;
	_ =	strace $0x9FFFFFFF  }
0xc3: {  	(tm) =	ssettm $0x7FFFFFFF  }
tec
execute0_lowered:
.L_overlay_start_1:
0x0: {  	(tag) =	ssettag $0x1  }
0x1: {  	s4 =	rddreg [dreg:$0x0]  }
0x2: {  	s5 =	rddreg [dreg:$0x1]  }
0x3: {  	s2 =	rddreg [dreg:$0x2];
	s6 =	simm.s32 $0x0;
	s1 =	stileid.u32  }
0x4: {  	[smem:$0x7FF] =	sst s6;
	s3 =	sshll.u32 s1, $0x8  }
0x5: {  	s0 =	rddreg [dreg:$0x3];
	_ =	strace $0x80000047;
	s4 =	sadd.s32 s4, s3  }
0x6: {  	[tilespmem:s6], [sflag:$0x1] =	stream.linear.gather [hbm4b:s4+s6], $0x800, $0x38;
	[tilespmem:$0x1080] =	vst v63  }
0x7: {  	s30 =	simm.s32 $0x1000;
	s31 =	simm.s32 $0x1  }
0x8: {  	[tilespmem:s30], [sflag:$0x1] =	stream.linear.gather [hbm4b:s5+s6], $0x80, $0x38;
	[tilespmem:$0x1080] =	vst v63  }
0x9: {  	_ =	swait.ge [sflag:s31], $0x800  }
0xa: {  	[sflag:s31] =	ssyncset.done $0x0  }
0xb: {  	[sflag:s31] =	ssyncadd.s32 $0xFFFFF800  }
0xc: {  	_ =	swait.ge [sflag:s31], $0x80  }
0xd: {  	[sflag:s31] =	ssyncset.done $0x0  }
0xe: {  	s4 =	simm.s32 $0x0;
	[sflag:s31] =	ssyncadd.s32 $0xFFFFFF80  }
0xf: {  	v2 =	vld [tilespmem:s4+$0xF0]  }
0x10: {  	v3 =	vld [tilespmem:s4+$0xE0]  }
0x11: {  	v4 =	vld [tilespmem:s4+$0x90]  }
0x12: {  	v5 =	vld [tilespmem:s4+$0xA0]  }
0x13: {  	v7 =	vld [tilespmem:s4+$0xB0]  }
0x14: {  	v8 =	vld [tilespmem:s4+$0x50]  }
0x15: {  	v9 =	vld [tilespmem:s4+$0x10]  }
0x16: {  	v10 =	vld [tilespmem:s4+$0x30]  }
0x17: {  	v12 =	vld [tilespmem:s4+$0x70]  }
0x18: {  	v1 =	vld [tilespmem:$0x1000];
	v2 =	vadd.f32 $-1.000000000e+00, v2  }
0x19: {  	v6 =	vld [tilespmem:s4+$0xD0];
	v3 =	vadd.f32 $-1.000000000e+00, v3;
	v4 =	vadd.f32 $-1.000000000e+00, v4  }
0x1a: {  	v5 =	vadd.f32 $-1.000000000e+00, v5;
	v7 =	vadd.f32 $-1.000000000e+00, v7  }
0x1b: {  	v0 =	vld [tilespmem:$0x1010];
	v8 =	vadd.f32 $-1.000000000e+00, v8;
	v9 =	vadd.f32 $-1.000000000e+00, v9  }
0x1c: {  	v11 =	vld [tilespmem:s4+$0x20];
	v17 =	vadd.f32 $-1.000000000e+00, v10;
	v12 =	vadd.f32 $-1.000000000e+00, v12  }
0x1d: {  	v2 =	vmax.f32 v2, $0.0e+00;
	v3 =	vmax.f32 v3, $0.0e+00;
	v14 =	vmax.f32 v4, $0.0e+00  }
0x1e: {  	v15 =	vld [tilespmem:s4+$0xC0];
	v4 =	vadd.f32 $-1.000000000e+00, v6;
	v5 =	vmax.f32 v5, $0.0e+00;
	v2 =	vmul.f32 v2, v1  }
0x1f: {  	v6 =	vld [tilespmem:s4+$0x60];
	v8 =	vmax.f32 v8, $0.0e+00;
	v3 =	vmul.f32 v3, v1;
	v5 =	vmul.f32 v5, v1  }
0x20: {  	v7 =	vmax.f32 v7, $0.0e+00;
	v8 =	vmul.f32 v8, v1;
	v14 =	vmul.f32 v14, v1  }
0x21: {  	v18 =	vmax.f32 v4, $0.0e+00;
	v4 =	vadd.f32 $-1.000000000e+00, v11;
	v13 =	vadd.f32 v2, v0;
	v2 =	vld [tilespmem:s4+$0x80]  }
0x22: {  	v10 =	vld [tilespmem:s4+$0x0];
	v16 =	vadd.f32 v3, v0;
	v3 =	vmul.f32 v7, v1;
	v7 =	vmax.f32 v9, $0.0e+00  }
0x23: {  	v5 =	vadd.f32 v5, v0;
	v11 =	vadd.f32 v8, v0;
	v7 =	vmul.f32 v7, v1;
	[tilespmem:s4+$0x8F0] =	vst v13  }
0x24: {  	[tilespmem:s4+$0x8E0] =	vst v16;
	v9 =	vadd.f32 $-1.000000000e+00, v6;
	v6 =	vmax.f32 v4, $0.0e+00;
	v4 =	vadd.f32 $-1.000000000e+00, v15  }
0x25: {  	s5 =	simm.s32 $0x400;
	v8 =	vld [tilespmem:s4+$0x40];
	[tilespmem:s4+$0x8A0] =	vst v5;
	v5 =	vmul.f32 v18, v1;
	v13 =	vmul.f32 v6, v1;
	v6 =	vmax.f32 v17, $0.0e+00  }
.LBB2_1:
0x26: {  	s6 =	sshra.s32 s5, $0x2;
	p0 =	sne.s32 s5, $0x1C00;
	s5 =	sadd.s32 $0x400, s5;
	v9 =	vmax.f32 v9, $0.0e+00;
	v12 =	vmax.f32 v12, $0.0e+00;
	v2 =	vadd.f32 $-1.000000000e+00, v2  }
0x27: {  	v15 =	vld [tilespmem:s6+$0xA0];
	v10 =	vadd.f32 $-1.000000000e+00, v10;
	v12 =	vmul.f32 v12, v1;
	v14 =	vadd.f32 v14, v0  }
0x28: {  	v13 =	vadd.f32 v13, v0;
	v16 =	vld [tilespmem:s6+$0xF0];
	[tilespmem:s4+$0x850] =	vst v11;
	v2 =	vmax.f32 v2, $0.0e+00  }
0x29: {  	v9 =	vmul.f32 v9, v1;
	v11 =	vld [tilespmem:s6+$0xE0];
	v10 =	vmax.f32 v10, $0.0e+00;
	v12 =	vadd.f32 v12, v0;
	[tilespmem:s4+$0x890] =	vst v14  }
0x2a: {  	v7 =	vadd.f32 v7, v0;
	v14 =	vld [tilespmem:s6+$0x90];
	v10 =	vmul.f32 v10, v1;
	v8 =	vadd.f32 $-1.000000000e+00, v8  }
0x2b: {  	v3 =	vadd.f32 v3, v0;
	v9 =	vadd.f32 v9, v0;
	v2 =	vmul.f32 v2, v1;
	v17 =	vld [tilespmem:s6+$0x50];
	[tilespmem:s4+$0x820] =	vst v13  }
0x2c: {  	v13 =	vld [tilespmem:s6+$0xD0];
	v10 =	vadd.f32 v10, v0;
	[tilespmem:s4+$0x810] =	vst v7;
	v7 =	vmax.f32 v8, $0.0e+00  }
0x2d: {  	v6 =	vmul.f32 v6, v1;
	v8 =	vld [tilespmem:s6+$0xB0];
	v16 =	vadd.f32 $-1.000000000e+00, v16;
	v7 =	vmul.f32 v7, v1;
	[tilespmem:s4+$0x870] =	vst v12  }
0x2e: {  	v4 =	vmax.f32 v4, $0.0e+00;
	v5 =	vadd.f32 v5, v0;
	v18 =	vld [tilespmem:s6+$0xC0];
	[tilespmem:s4+$0x800] =	vst v10;
	v10 =	vadd.f32 v2, v0  }
0x2f: {  	v4 =	vmul.f32 v4, v1;
	v11 =	vadd.f32 $-1.000000000e+00, v11;
	v2 =	vld [tilespmem:s6+$0x80];
	v12 =	vmax.f32 v16, $0.0e+00;
	[tilespmem:s4+$0x860] =	vst v9  }
0x30: {  	v6 =	vadd.f32 v6, v0;
	v14 =	vadd.f32 $-1.000000000e+00, v14;
	v9 =	vld [tilespmem:s6+$0x10];
	v12 =	vmul.f32 v12, v1;
	[tilespmem:s4+$0x8B0] =	vst v3  }
0x31: {  	v4 =	vadd.f32 v4, v0;
	v15 =	vadd.f32 $-1.000000000e+00, v15;
	v11 =	vmax.f32 v11, $0.0e+00;
	v3 =	vld [tilespmem:s6+$0x30];
	[tilespmem:s4+$0x8D0] =	vst v5  }
0x32: {  	v14 =	vmax.f32 v14, $0.0e+00;
	v13 =	vadd.f32 $-1.000000000e+00, v13;
	v5 =	vld [tilespmem:s6+$0x20];
	[tilespmem:s4+$0x830] =	vst v6;
	v6 =	vadd.f32 v7, v0  }
0x33: {  	v15 =	vmax.f32 v15, $0.0e+00;
	v11 =	vmul.f32 v11, v1;
	v8 =	vadd.f32 $-1.000000000e+00, v8;
	v7 =	vld [tilespmem:s6+$0x60];
	[tilespmem:s4+$0x880] =	vst v10  }
0x34: {  	v15 =	vmul.f32 v15, v1;
	v12 =	vadd.f32 v12, v0;
	v10 =	vadd.f32 $-1.000000000e+00, v17;
	v16 =	vld [tilespmem:s6+$0x70];
	[tilespmem:s4+$0x840] =	vst v6  }
0x35: {  	v8 =	vmax.f32 v8, $0.0e+00;
	v6 =	vadd.f32 $-1.000000000e+00, v9;
	v9 =	vadd.f32 v11, v0;
	[tilespmem:s4+$0x8C0] =	vst v4;
	s4 =	smov.u32 s6  }
0x36: {  	v13 =	vmax.f32 v13, $0.0e+00;
	v4 =	vadd.f32 v15, v0;
	v17 =	vadd.f32 $-1.000000000e+00, v3;
	[tilespmem:s4+$0x8F0] =	vst v12  }
.Ltmp0:
0x37: {  	v11 =	vmax.f32 v10, $0.0e+00;
	v3 =	vmul.f32 v8, v1;
	v5 =	vadd.f32 $-1.000000000e+00, v5;
	[tilespmem:s4+$0x8E0] =	vst v9;
	(pc) =	sbr.rel @p0 .LBB2_1-.Ltmp0, $4  }
0x38: {  	v8 =	vmul.f32 v11, v1;
	v6 =	vmax.f32 v6, $0.0e+00;
	v10 =	vld [tilespmem:s4+$0x0];
	v9 =	vadd.f32 $-1.000000000e+00, v7;
	[tilespmem:s4+$0x8A0] =	vst v4  }
0x39: {  	v7 =	vmul.f32 v6, v1;
	v6 =	vmax.f32 v5, $0.0e+00;
	v12 =	vadd.f32 $-1.000000000e+00, v16  }
0x3a: {  	v11 =	vadd.f32 v8, v0;
	v4 =	vadd.f32 $-1.000000000e+00, v18;
	v5 =	vmul.f32 v13, v1  }
0x3b: {  	v14 =	vmul.f32 v14, v1;
	v13 =	vmul.f32 v6, v1;
	v6 =	vmax.f32 v17, $0.0e+00;
	v8 =	vld [tilespmem:s4+$0x40]  }
0x3c: {  	v7 =	vadd.f32 v7, v0  }
0x3d: {  	v12 =	vmax.f32 v12, $0.0e+00;
	[tilespmem:s4+$0x850] =	vst v11;
	v3 =	vadd.f32 v3, v0  }
0x3e: {  	v9 =	vmax.f32 v9, $0.0e+00;
	v2 =	vadd.f32 $-1.000000000e+00, v2;
	v5 =	vadd.f32 v5, v0;
	[tilespmem:s4+$0x810] =	vst v7  }
0x3f: {  	v6 =	vmul.f32 v6, v1;
	v4 =	vmax.f32 v4, $0.0e+00;
	v14 =	vadd.f32 v14, v0;
	[tilespmem:s4+$0x8B0] =	vst v3  }
0x40: {  	v10 =	vadd.f32 $-1.000000000e+00, v10;
	v12 =	vmul.f32 v12, v1;
	v13 =	vadd.f32 v13, v0;
	[tilespmem:s4+$0x8D0] =	vst v5  }
0x41: {  	v9 =	vmul.f32 v9, v1;
	v61 =	vmul.f32 v4, v1;
	v6 =	vadd.f32 v6, v0;
	[tilespmem:s4+$0x890] =	vst v14  }
0x42: {  	v2 =	vmax.f32 v2, $0.0e+00;
	v58 =	vadd.f32 v12, v0;
	[tilespmem:s4+$0x820] =	vst v13;
	v59 =	vadd.f32 $-1.000000000e+00, v8  }
0x43: {  	v10 =	vmax.f32 v10, $0.0e+00;
	v60 =	vadd.f32 v9, v0;
	v2 =	vmul.f32 v2, v1;
	[tilespmem:s4+$0x830] =	vst v6  }
0x44: {  	v63 =	vadd.f32 v61, v0;
	v10 =	vmul.f32 v10, v1;
	[tilespmem:s4+$0x870] =	vst v58;
	v7 =	vmax.f32 v59, $0.0e+00  }
0x45: {  	[tilespmem:s4+$0x860] =	vst v60;
	v2 =	vadd.f32 v2, v0;
	v7 =	vmul.f32 v7, v1  }
0x46: {  	[tilespmem:s4+$0x8C0] =	vst v63;
	v10 =	vadd.f32 v10, v0  }
0x47: {  	[tilespmem:s4+$0x880] =	vst v2;
	v62 =	vadd.f32 v7, v0  }
0x48: {  	s2 =	sadd.s32 s2, s3;
	[tilespmem:s4+$0x800] =	vst v10  }
0x49: {  	s29 =	simm.s32 $0x0;
	s30 =	simm.s32 $0x800;
	s31 =	simm.s32 $0x2;
	[tilespmem:s4+$0x840] =	vst v62  }
0x4a: {  	[hbm4b:s2+s29] =	stream.linear.scatter [tilespmem:s30], [sflag:$0x2], $0x800, $0x38;
	[tilespmem:$0x1080] =	vst v63  }
0x4b: {  	_ =	swait.ge [sflag:s31], $0x800  }
0x4c: {  	[sflag:s31] =	ssyncset.done $0x0  }
0x4d: {  	[sflag:s31] =	ssyncadd.s32 $0xFFFFF800  }
0x4e: {  	_ =	sfence.sel $0x180000  }
0x4f: {  	[bflag:$0x0] =	sbarrier.arrive $0xFFFF  }
0x50: {  	p0 =	sne.s32 s1, $0x0;
	_ =	strace $0x90000047  }
0x51: {  	s0 =	sadd.s32 @!p0 $0x100000, s0;
	[bflag:$0x2] =	sbarrier.arrive $0xFFFF  }
0x52: {  	[sflag:s0] =	ssyncadd.tile.s32 @!p0 $0x1;
	_ =	shalt  }
.Lfunc_end2:
_tile_overlayer_lowered:
.L_overlay_start_2:
0x53: {  	(tag) =	ssettag $0x2  }
0x54: {  	s0 =	rddreg [dreg:$0x0];
	s2 =	stileid.u32  }
0x55: {  	s1 =	rddreg [dreg:$0x1];
	p0 =	sne.s32 s2, $0x0  }
0x56: {  	s3 =	rddreg [dreg:$0x2];
	[bflag:$0x3] =	sbarrier.arrive $0xFFFF;
	s2 =	simm.s32 @!p0 $0x1C02  }
0x57: {  	[timem:s3], [sflag:s2] =	dma.local @!p0 [hbm:s0], s1  }
0x58: {  	s0 =	simm.s32 @!p0 $0x2  }
0x59: {  	_ =	swait.ge @!p0 [sflag:s0], s1  }
0x5a: {  	s1 =	ssub.s32 @!p0 $0x0, s1;
	[sflag:s0] =	ssyncset.done @!p0 $0x0  }
0x5b: {  	[sflag:s0] =	ssyncadd.s32 @!p0 s1  }
0x5c: {  	[bflag:$0x3] =	sbarrier.arrive $0xFFFF  }
0x5d: {  	_ =	shalt  }

</sc_bundles>
